<compile_context>
chip_gen: v7x
topology: tpu7x:2x2x1
jax: 0.10.2.dev20260603
libtpu: 0.0.44.dev20260713+nightly
codegen_flags: <defaults>
</compile_context>

<pallas_src>
import jax
import jax.numpy as jnp
from jax import lax
from jax.experimental import pallas as pl
from jax.experimental.pallas import tpu as pltpu
from jax.experimental.pallas import tpu_sc as plsc

_B, _N, _T, _DIN = 4, 512, 24, 48
_EMB, _H = 32, 128
_E = _N * 16
_ROWS_PER_TILE = 16
_FLAT = _ROWS_PER_TILE * _N
_BN = _B * _N

_PREC = lax.Precision.DEFAULT



def _adj_body(ea_hbm, eb_hbm, out_hbm, ea_v, eb_v, m_v):
    wid = lax.axis_index("c") * 16 + lax.axis_index("s")
    base = wid * _ROWS_PER_TILE
    pltpu.sync_copy(ea_hbm, ea_v)
    pltpu.sync_copy(eb_hbm, eb_v)

    zeros = jnp.zeros((16,), jnp.float32)

    def zinit(j, carry):
        m_v[pl.ds(j * 16, 16)] = zeros
        return carry

    lax.fori_loop(0, _FLAT // 16, zinit, 0)

    ones = jnp.ones((16,), jnp.float32)

    def body(i, carry):
        a = ea_v[pl.ds(i * 16, 16)]
        b = eb_v[pl.ds(i * 16, 16)]
        mka = (a >= base) & (a < base + _ROWS_PER_TILE)
        ia = jnp.where(mka, (a - base) * _N + b, 0)
        plsc.addupdate_scatter(m_v, [ia], ones, mask=mka)
        mkb = (b >= base) & (b < base + _ROWS_PER_TILE)
        ib = jnp.where(mkb, (b - base) * _N + a, 0)
        plsc.addupdate_scatter(m_v, [ib], ones, mask=mkb)
        return carry

    lax.fori_loop(0, _E // 16, body, 0)
    pltpu.sync_copy(m_v, out_hbm.at[pl.ds(base * _N, _FLAT)])


def _adj_counts(ea, eb):
    mesh = plsc.VectorSubcoreMesh(core_axis_name="c", subcore_axis_name="s")
    k = pl.kernel(
        _adj_body,
        out_type=jax.ShapeDtypeStruct((_N * _N,), jnp.float32),
        mesh=mesh,
        scratch_types=[
            pltpu.VMEM((_E,), jnp.int32),
            pltpu.VMEM((_E,), jnp.int32),
            pltpu.VMEM((_FLAT,), jnp.float32),
        ],
        compiler_params=pltpu.CompilerParams(needs_layout_passes=False),
    )
    return k(ea, eb)



def _sigm(x):
    return jax.nn.sigmoid(x)


def _lstm_body(x_ref, emb_ref, wi_ref, wh_ref, bias_ref, out_ref,
               h_ref, c_ref):
    t = pl.program_id(0)

    @pl.when(t == 0)
    def _():
        h_ref[...] = jnp.zeros_like(h_ref)
        c_ref[...] = jnp.zeros_like(c_ref)

    xin = jnp.concatenate([emb_ref[...], x_ref[0]], axis=1)
    gates = (
        jnp.dot(xin, wi_ref[...],
                preferred_element_type=jnp.float32, precision=_PREC)
        + jnp.dot(h_ref[...], wh_ref[...],
                  preferred_element_type=jnp.float32, precision=_PREC)
        + bias_ref[...]
    )
    i_g = _sigm(gates[:, 0 * _H:1 * _H])
    f_g = _sigm(gates[:, 1 * _H:2 * _H])
    g_g = jnp.tanh(gates[:, 2 * _H:3 * _H])
    o_g = _sigm(gates[:, 3 * _H:4 * _H])
    c = f_g * c_ref[...] + i_g * g_g
    h = o_g * jnp.tanh(c)
    c_ref[...] = c
    h_ref[...] = h
    out_ref[0] = h


def _lstm_call(xT, emb_rep, wiT, whT, bias, *, interpret=False):
    return pl.pallas_call(
        _lstm_body,
        grid=(_T,),
        in_specs=[
            pl.BlockSpec((1, _BN, _DIN), lambda t: (t, 0, 0)),
            pl.BlockSpec((_BN, _EMB), lambda t: (0, 0)),
            pl.BlockSpec((_EMB + _DIN, 4 * _H), lambda t: (0, 0)),
            pl.BlockSpec((_H, 4 * _H), lambda t: (0, 0)),
            pl.BlockSpec((1, 4 * _H), lambda t: (0, 0)),
        ],
        out_specs=pl.BlockSpec((1, _BN, _H), lambda t: (t, 0, 0)),
        out_shape=jax.ShapeDtypeStruct((_T, _BN, _H), jnp.float32),
        scratch_shapes=[
            pltpu.VMEM((_BN, _H), jnp.float32),
            pltpu.VMEM((_BN, _H), jnp.float32),
        ],
        compiler_params=pltpu.CompilerParams(
            dimension_semantics=("arbitrary",)),
        interpret=interpret,
    )(xT, emb_rep, wiT, whT, bias)


def _gcn_body(hs_ref, cnt_ref, w1_ref, b1_ref, w2_ref, b2_ref, wo_ref, bo_ref,
              out_ref, wb_ref, dis_ref):
    t = pl.program_id(0)

    @pl.when(t == 0)
    def _():
        cnt = jnp.reshape(cnt_ref[...], (_N, _N))
        r = lax.broadcasted_iota(jnp.int32, (_N, _N), 0)
        cc = lax.broadcasted_iota(jnp.int32, (_N, _N), 1)
        w = jnp.minimum(cnt, 1.0) + (r == cc).astype(jnp.float32)
        wb_ref[...] = w.astype(jnp.bfloat16)
        dis_ref[...] = lax.rsqrt(jnp.sum(w, axis=1, keepdims=True))

    h = hs_ref[0]
    wb = wb_ref[...]
    dis = dis_ref[...]

    def apply_adj(P):
        hi = P.astype(jnp.bfloat16)
        lo = (P - hi.astype(jnp.float32)).astype(jnp.bfloat16)
        return (
            jnp.dot(wb, hi, preferred_element_type=jnp.float32)
            + jnp.dot(wb, lo, preferred_element_type=jnp.float32)
        )

    def conv(Xin, w_ref, b_ref, first):
        cols = []
        for b in range(_B):
            xb = Xin[b * _N:(b + 1) * _N, :] if first \
                else Xin[:, b * _H:(b + 1) * _H]
            cols.append(
                jnp.dot(jnp.maximum(xb, 0.0), w_ref[...],
                        preferred_element_type=jnp.float32, precision=_PREC))
        XW = jnp.concatenate(cols, axis=1)
        bt = jnp.concatenate([b_ref[...]] * _B, axis=1)
        return apply_adj(XW * dis) * dis + bt

    Y = conv(h, w1_ref, b1_ref, True)
    Y = conv(Y, w2_ref, b2_ref, False)
    outs = [
        jnp.dot(Y[:, b * _H:(b + 1) * _H], wo_ref[...],
                preferred_element_type=jnp.float32, precision=_PREC)
        for b in range(_B)
    ]
    out_ref[0] = jnp.concatenate(outs, axis=1) + bo_ref[...]


def _gcn_call(hs, counts, w1t, b1t, w2t, b2t, wot, bo, *, interpret=False):
    return pl.pallas_call(
        _gcn_body,
        grid=(_T,),
        in_specs=[
            pl.BlockSpec((1, _BN, _H), lambda t: (t, 0, 0)),
            pl.BlockSpec((_N * _N // 128, 128), lambda t: (0, 0)),
            pl.BlockSpec((_H, _H), lambda t: (0, 0)),
            pl.BlockSpec((1, _H), lambda t: (0, 0)),
            pl.BlockSpec((_H, _H), lambda t: (0, 0)),
            pl.BlockSpec((1, _H), lambda t: (0, 0)),
            pl.BlockSpec((_H, 1), lambda t: (0, 0)),
            pl.BlockSpec((1, 1), lambda t: (0, 0)),
        ],
        out_specs=pl.BlockSpec((1, _N, _B), lambda t: (t, 0, 0)),
        out_shape=jax.ShapeDtypeStruct((_T, _N, _B), jnp.float32),
        scratch_shapes=[
            pltpu.VMEM((_N, _N), jnp.bfloat16),
            pltpu.VMEM((_N, 1), jnp.float32),
        ],
        compiler_params=pltpu.CompilerParams(
            dimension_semantics=("arbitrary",)),
        interpret=interpret,
    )(hs, counts, w1t, b1t, w2t, b2t, wot, bo)



def kernel(x, edge_index, emb_table, w_ih, w_hh, b_ih, b_hh,
           Wg1, bg1, Wg2, bg2, Wout, bout):
    counts = _adj_counts(edge_index[0], edge_index[1])
    counts = counts.reshape(_N * _N // 128, 128)

    xT = jnp.transpose(x.reshape(_BN, _T, _DIN), (1, 0, 2))
    emb_rep = jnp.tile(emb_table, (_B, 1))
    wiT = w_ih.T
    whT = w_hh.T
    bias = (b_ih + b_hh)[None, :]

    hs = _lstm_call(xT, emb_rep, wiT, whT, bias)
    out_tnb = _gcn_call(hs, counts,
                        Wg1.T, bg1[None, :], Wg2.T, bg2[None, :],
                        Wout.T, bout[None, :])
    return jnp.transpose(out_tnb, (2, 1, 0))[..., None]

# --- scband reference (transcript-rebuilt; emitter-appended) ---
"""Pipeline reference for scband-spatio-temporal-embedding-model-57097295233623 (READ-ONLY COPY).

The authoritative reference and input builder live on the scoring server;
editing this copy changes nothing except your own understanding.
"""

import jax, jax.numpy as jnp
import numpy as np

B, N, T, D_IN = 4, 512, 24, 48
EMB, H = 32, 128

def _process_edges(edge_index, n):
    # torch_geometric.utils.to_undirected (symmetrize + coalesce) then add_self_loops
    ei = edge_index
    both = jnp.concatenate([ei, ei[::-1]], axis=1)
    keys = jnp.sort(both[0] * n + both[1])
    first = jnp.concatenate([jnp.ones((1,), bool), keys[1:] != keys[:-1]])
    row = keys // n
    col = keys % n
    loops = jnp.arange(n, dtype=keys.dtype)
    full_row = jnp.concatenate([row, loops])
    full_col = jnp.concatenate([col, loops])
    w = jnp.concatenate([first.astype(jnp.float32), jnp.ones((n,), jnp.float32)])
    return full_row.astype(jnp.int32), full_col.astype(jnp.int32), w

def _lstm(x_seq, w_ih, w_hh, b_ih, b_hh):
    # torch nn.LSTM, 1 layer, batch_first, gate order i,f,g,o, zero initial state
    def step(carry, x_t):
        h, c = carry
        gates = x_t @ w_ih.T + h @ w_hh.T + b_ih + b_hh
        i, f, g, o = jnp.split(gates, 4, axis=-1)
        c = jax.nn.sigmoid(f) * c + jax.nn.sigmoid(i) * jnp.tanh(g)
        h = jax.nn.sigmoid(o) * jnp.tanh(c)
        return (h, c), h
    Bn = x_seq.shape[0]
    h0 = jnp.zeros((Bn, H), x_seq.dtype)
    c0 = jnp.zeros((Bn, H), x_seq.dtype)
    _, ys = jax.lax.scan(step, (h0, c0), jnp.swapaxes(x_seq, 0, 1))
    return jnp.swapaxes(ys, 0, 1)

def _gcn_conv(h, row, col, ew, W, b):
    # PyG GCNConv(normalize=True, add_self_loops=True); self loops already present
    # for every node so add_remaining_self_loops inside gcn_norm is a no-op.
    # node_dim=-2 broadcasting over leading (B, T) dims.
    deg = jnp.zeros((N,), h.dtype).at[col].add(ew)
    dis = jnp.where(deg > 0, jax.lax.rsqrt(deg), 0.0)
    norm = dis[row] * dis[col] * ew
    xw = h @ W.T
    msgs = xw[:, :, row, :] * norm[None, None, :, None]
    out = jnp.zeros_like(xw).at[:, :, col, :].add(msgs)
    return out + b

def _forward(row, col, ew, x, emb_table, w_ih, w_hh, b_ih, b_hh, Wg1, bg1, Wg2, bg2, Wout, bout):
    # apply_temporal_model: the torch loop over stations is vectorized by folding
    # the node axis into the batch; e = full((B,T), i) -> embedding row i repeated.
    emb = jnp.broadcast_to(emb_table[None, :, None, :], (B, N, T, EMB))
    xin = jnp.concatenate([emb, x], axis=3).reshape(B * N, T, EMB + D_IN)
    out = _lstm(xin, w_ih, w_hh, b_ih, b_hh).reshape(B, N, T, H)
    hs = jnp.swapaxes(out, 1, 2)  # [B, T, N, H]
    for W_, b_ in ((Wg1, bg1), (Wg2, bg2)):
        hs = jax.nn.relu(hs)
        hs = _gcn_conv(hs, row, col, ew, W_, b_)
    hs = jnp.swapaxes(hs, 1, 2)  # [B, N, T, H]
    return hs @ Wout.T + bout

def setup_inputs(seed: int = 0):
    key = jax.random.key(seed)
    ks = jax.random.split(key, 14)
    s = float(1.0 / np.sqrt(H))
    u = lambda k, shape, sc: jax.random.uniform(k, shape, jnp.float32, -sc, sc)
    return {
        "x": jax.random.normal(ks[0], (B, N, T, D_IN), jnp.float32),
        "edge_index": jax.random.randint(ks[1], (2, N * 16), 0, N, jnp.int32),
        "emb_table": jax.random.normal(ks[2], (N, EMB), jnp.float32),
        "w_ih": u(ks[3], (4 * H, D_IN + EMB), s),
        "w_hh": u(ks[4], (4 * H, H), s),
        "b_ih": u(ks[5], (4 * H,), s),
        "b_hh": u(ks[6], (4 * H,), s),
        "Wg1": u(ks[7], (H, H), s),
        "bg1": u(ks[8], (H,), s),
        "Wg2": u(ks[9], (H, H), s),
        "bg2": u(ks[10], (H,), s),
        "Wout": u(ks[11], (1, H), s),
        "bout": u(ks[12], (1,), s),
    }

def reference(x, edge_index, emb_table, w_ih, w_hh, b_ih, b_hh, Wg1, bg1, Wg2, bg2, Wout, bout):
    row, col, ew = _process_edges(edge_index, N)
    return _forward(row, col, ew, x, emb_table, w_ih, w_hh, b_ih, b_hh, Wg1, bg1, Wg2, bg2, Wout, bout)

if __name__ == "__main__":
    import jax
    _d = setup_inputs()
    print(jax.jit(kernel)(*tuple(_d.values())))

</pallas_src>

<mosaic_0001>
#map = affine_map<(d0, d1) -> (0)>
module attributes {stable_mosaic.version = 14 : i64} {
  func.func @_adj_body(%arg0: i32, %arg1: i32, %arg2: memref<8192xi32, #tpu.memory_space<hbm>>, %arg3: memref<8192xi32, #tpu.memory_space<hbm>>, %arg4: memref<262144xf32, #tpu.memory_space<hbm>>, %arg5: memref<8192xi32, #tpu.memory_space<vmem>>, %arg6: memref<8192xi32, #tpu.memory_space<vmem>>, %arg7: memref<8192xf32, #tpu.memory_space<vmem>>) attributes {dimension_semantics = [#tpu.dimension_semantics<core_parallel>, #tpu.dimension_semantics<subcore_parallel>], iteration_bounds = array<i64: 2, 16>, scalar_prefetch = 0 : i64, scratch_operands = 3 : i64, tpu.core_type = #tpu.core_type<sc_vector_subcore>, window_params = [{transform_indices = #map}, {transform_indices = #map}, {transform_indices = #map}]} {
    %mul3A = arith.constant 16 : i32
    %mul3A_0 = arith.muli %arg0, %mul3A : i32
    %add3A = arith.addi %mul3A_0, %arg1 : i32
    %mul3A_1 = arith.constant 16 : i32
    %mul3A_2 = arith.muli %add3A, %mul3A_1 : i32
    "tpu.region"() ({
      %run_scoped3A = tpu.sem_alloc : memref<!tpu.dma_semaphore, #tpu.memory_space<semaphore_mem>>
      tpu.enqueue_dma source(%arg2 : memref<8192xi32, #tpu.memory_space<hbm>>) target(%arg5 : memref<8192xi32, #tpu.memory_space<vmem>>) target_semaphore(%run_scoped3A : memref<!tpu.dma_semaphore, #tpu.memory_space<semaphore_mem>>)
      tpu.wait_dma2 semaphore(%run_scoped3A : memref<!tpu.dma_semaphore, #tpu.memory_space<semaphore_mem>>) src(%arg2 : memref<8192xi32, #tpu.memory_space<hbm>>) dst(%arg5 : memref<8192xi32, #tpu.memory_space<vmem>>)
      tpu.yield
    }) : () -> ()
    "tpu.region"() ({
      %run_scoped3A = tpu.sem_alloc : memref<!tpu.dma_semaphore, #tpu.memory_space<semaphore_mem>>
      tpu.enqueue_dma source(%arg3 : memref<8192xi32, #tpu.memory_space<hbm>>) target(%arg6 : memref<8192xi32, #tpu.memory_space<vmem>>) target_semaphore(%run_scoped3A : memref<!tpu.dma_semaphore, #tpu.memory_space<semaphore_mem>>)
      tpu.wait_dma2 semaphore(%run_scoped3A : memref<!tpu.dma_semaphore, #tpu.memory_space<semaphore_mem>>) src(%arg3 : memref<8192xi32, #tpu.memory_space<hbm>>) dst(%arg6 : memref<8192xi32, #tpu.memory_space<vmem>>)
      tpu.yield
    }) : () -> ()
    %broadcast_in_dim3A = arith.constant 0.000000e+00 : f32
    %broadcast_in_dim3A_3 = vector.broadcast %broadcast_in_dim3A : f32 to vector<16xf32>
    %scan3A = arith.constant 0 : i32
    %scan3A_4 = arith.constant 0 : i32
    %scan3A_5 = arith.constant 512 : i32
    %scan3A_6 = arith.addi %scan3A_4, %scan3A_5 : i32
    %scan3A_7 = arith.constant 1 : i32
    scf.for %scan3A_19 = %scan3A_4 to %scan3A_6 step %scan3A_7  : i32 {
      %mul3A_20 = arith.constant 16 : i32
      %mul3A_21 = arith.muli %scan3A_19, %mul3A_20 : i32
      %swap3A = arith.index_cast %mul3A_21 : i32 to index
      %swap3A_22 = tpu.vector_load %arg7[%swap3A] {strides = array<i32>} : memref<8192xf32, #tpu.memory_space<vmem>>, vector<16xf32>,
      tpu.vector_store %arg7[%swap3A], %broadcast_in_dim3A_3 {strides = array<i32>} : memref<8192xf32, #tpu.memory_space<vmem>>, vector<16xf32>,
    }
    %scan3A_8 = arith.constant 512 : i32
    %broadcast_in_dim3A_9 = arith.constant 1.000000e+00 : f32
    %broadcast_in_dim3A_10 = vector.broadcast %broadcast_in_dim3A_9 : f32 to vector<16xf32>
    %scan3A_11 = arith.constant 0 : i32
    %scan3A_12 = arith.constant 0 : i32
    %scan3A_13 = arith.constant 512 : i32
    %scan3A_14 = arith.addi %scan3A_12, %scan3A_13 : i32
    %scan3A_15 = arith.constant 1 : i32
    scf.for %scan3A_19 = %scan3A_12 to %scan3A_14 step %scan3A_15  : i32 {
      %mul3A_20 = arith.constant 16 : i32
      %mul3A_21 = arith.muli %scan3A_19, %mul3A_20 : i32
      %get3A = arith.index_cast %mul3A_21 : i32 to index
      %get3A_22 = tpu.vector_load %arg5[%get3A] {strides = array<i32>} : memref<8192xi32, #tpu.memory_space<vmem>>, vector<16xi32>,
      %mul3A_23 = arith.constant 16 : i32
      %mul3A_24 = arith.muli %scan3A_19, %mul3A_23 : i32
      %get3A_25 = arith.index_cast %mul3A_24 : i32 to index
      %get3A_26 = tpu.vector_load %arg6[%get3A_25] {strides = array<i32>} : memref<8192xi32, #tpu.memory_space<vmem>>, vector<16xi32>,
      %ge3A = vector.broadcast %mul3A_2 : i32 to vector<16xi32>
      %ge3A_27 = arith.cmpi sge, %get3A_22, %ge3A : vector<16xi32>
      %add3A_28 = arith.constant 16 : i32
      %add3A_29 = arith.addi %mul3A_2, %add3A_28 : i32
      %lt3A = vector.broadcast %add3A_29 : i32 to vector<16xi32>
      %lt3A_30 = arith.cmpi slt, %get3A_22, %lt3A : vector<16xi32>
      %and3A = arith.andi %ge3A_27, %lt3A_30 : vector<16xi1>
      %sub3A = vector.broadcast %mul3A_2 : i32 to vector<16xi32>
      %sub3A_31 = arith.subi %get3A_22, %sub3A : vector<16xi32>
      %mul3A_32 = arith.constant 512 : i32
      %mul3A_33 = vector.broadcast %mul3A_32 : i32 to vector<16xi32>
      %mul3A_34 = arith.muli %sub3A_31, %mul3A_33 : vector<16xi32>
      %add3A_35 = arith.addi %mul3A_34, %get3A_26 : vector<16xi32>
      %jit3A = arith.constant 0 : i32
      %broadcast_in_dim3A_36 = vector.broadcast %jit3A : i32 to vector<16xi32>
      %select_n3A = arith.select %and3A, %add3A_35, %broadcast_in_dim3A_36 : vector<16xi1>, vector<16xi32>
      tpu.vector_store_idx %arg7[%select_n3A], %broadcast_in_dim3A_10 masked %and3A {add = true} : memref<8192xf32, #tpu.memory_space<vmem>>[vector<16xi32>], vector<16xf32>, vector<16xi1>
      %ge3A_37 = vector.broadcast %mul3A_2 : i32 to vector<16xi32>
      %ge3A_38 = arith.cmpi sge, %get3A_26, %ge3A_37 : vector<16xi32>
      %add3A_39 = arith.constant 16 : i32
      %add3A_40 = arith.addi %mul3A_2, %add3A_39 : i32
      %lt3A_41 = vector.broadcast %add3A_40 : i32 to vector<16xi32>
      %lt3A_42 = arith.cmpi slt, %get3A_26, %lt3A_41 : vector<16xi32>
      %and3A_43 = arith.andi %ge3A_38, %lt3A_42 : vector<16xi1>
      %sub3A_44 = vector.broadcast %mul3A_2 : i32 to vector<16xi32>
      %sub3A_45 = arith.subi %get3A_26, %sub3A_44 : vector<16xi32>
      %mul3A_46 = arith.constant 512 : i32
      %mul3A_47 = vector.broadcast %mul3A_46 : i32 to vector<16xi32>
      %mul3A_48 = arith.muli %sub3A_45, %mul3A_47 : vector<16xi32>
      %add3A_49 = arith.addi %mul3A_48, %get3A_22 : vector<16xi32>
      %jit3A_50 = arith.constant 0 : i32
      %broadcast_in_dim3A_51 = vector.broadcast %jit3A_50 : i32 to vector<16xi32>
      %select_n3A_52 = arith.select %and3A_43, %add3A_49, %broadcast_in_dim3A_51 : vector<16xi1>, vector<16xi32>
      tpu.vector_store_idx %arg7[%select_n3A_52], %broadcast_in_dim3A_10 masked %and3A_43 {add = true} : memref<8192xf32, #tpu.memory_space<vmem>>[vector<16xi32>], vector<16xf32>, vector<16xi1>
    }
    %scan3A_16 = arith.constant 512 : i32
    %mul3A_17 = arith.constant 512 : i32
    %mul3A_18 = arith.muli %mul3A_2, %mul3A_17 : i32
    "tpu.region"() ({
      %run_scoped3A = tpu.sem_alloc : memref<!tpu.dma_semaphore, #tpu.memory_space<semaphore_mem>>
      %dma_start3A = tpu.memref_slice %arg4[%mul3A_18] : memref<262144xf32, #tpu.memory_space<hbm>> -> memref<8192xf32, #tpu.memory_space<hbm>>
      %dma_start3A_19 = tpu.memref_slice %arg4[%mul3A_18] : memref<262144xf32, #tpu.memory_space<hbm>> -> memref<8192xf32, #tpu.memory_space<hbm>>
      tpu.enqueue_dma source(%arg7 : memref<8192xf32, #tpu.memory_space<vmem>>) target(%dma_start3A_19 : memref<8192xf32, #tpu.memory_space<hbm>>) target_semaphore(%run_scoped3A : memref<!tpu.dma_semaphore, #tpu.memory_space<semaphore_mem>>)
      %dma_wait3A = tpu.memref_slice %arg4[%mul3A_18] : memref<262144xf32, #tpu.memory_space<hbm>> -> memref<8192xf32, #tpu.memory_space<hbm>>
      %dma_wait3A_20 = tpu.memref_slice %arg4[%mul3A_18] : memref<262144xf32, #tpu.memory_space<hbm>> -> memref<8192xf32, #tpu.memory_space<hbm>>
      tpu.wait_dma2 semaphore(%run_scoped3A : memref<!tpu.dma_semaphore, #tpu.memory_space<semaphore_mem>>) src(%arg7 : memref<8192xf32, #tpu.memory_space<vmem>>) dst(%dma_wait3A_20 : memref<8192xf32, #tpu.memory_space<hbm>>)
      tpu.yield
    }) : () -> ()
    return
  }
}

module attributes {stable_mosaic.version = 14 : i64} {
  func.func @_lstm_body(%arg0: i32, %arg1: memref<1x2048x48xf32, #tpu.memory_space<vmem>>, %arg2: memref<2048x32xf32, #tpu.memory_space<vmem>>, %arg3: memref<80x512xf32, #tpu.memory_space<vmem>>, %arg4: memref<128x512xf32, #tpu.memory_space<vmem>>, %arg5: memref<1x512xf32, #tpu.memory_space<vmem>>, %arg6: memref<1x2048x128xf32, #tpu.memory_space<vmem>>, %arg7: memref<2048x128xf32, #tpu.memory_space<vmem>>, %arg8: memref<2048x128xf32, #tpu.memory_space<vmem>>) attributes {dimension_semantics = [#tpu.dimension_semantics<arbitrary>], iteration_bounds = array<i64: 24>, scalar_prefetch = 0 : i64, scratch_operands = 2 : i64, tpu.core_type = #tpu.core_type<tc>, window_params = [{transform_indices = @transform_0, window_bounds = array<i64: 1, 2048, 48>}, {pipeline_mode = #tpu.pipeline_mode<synchronous>, transform_indices = @transform_1, window_bounds = array<i64: 2048, 32>}, {pipeline_mode = #tpu.pipeline_mode<synchronous>, transform_indices = @transform_2, window_bounds = array<i64: 80, 512>}, {pipeline_mode = #tpu.pipeline_mode<synchronous>, transform_indices = @transform_3, window_bounds = array<i64: 128, 512>}, {pipeline_mode = #tpu.pipeline_mode<synchronous>, transform_indices = @transform_4, window_bounds = array<i64: 1, 512>}, {transform_indices = @transform_5, window_bounds = array<i64: 1, 2048, 128>}]} {
    %eq3A = arith.constant 0 : i32
    %eq3A_0 = arith.cmpi eq, %arg0, %eq3A : i32
    %convert_element_type3A = arith.extui %eq3A_0 : i1 to i32
    %cond3A = arith.constant 0 : i32
    %cond3A_1 = arith.cmpi ne, %convert_element_type3A, %cond3A : i32
    scf.if %cond3A_1 {
      %broadcast_in_dim3A = arith.constant 0.000000e+00 : f32
      %broadcast_in_dim3A_64 = vector.broadcast %broadcast_in_dim3A : f32 to vector<2048x128xf32>
      %swap3A_65 = arith.constant 0 : index
      %swap3A_66 = arith.constant 0 : index
      %swap3A_67 = vector.load %arg7[%swap3A_65, %swap3A_66] : memref<2048x128xf32, #tpu.memory_space<vmem>>, vector<2048x128xf32>
      tpu.vector_store %arg7[%swap3A_65, %swap3A_66], %broadcast_in_dim3A_64 {strides = array<i32>} : memref<2048x128xf32, #tpu.memory_space<vmem>>, vector<2048x128xf32>,
      %broadcast_in_dim3A_68 = arith.constant 0.000000e+00 : f32
      %broadcast_in_dim3A_69 = vector.broadcast %broadcast_in_dim3A_68 : f32 to vector<2048x128xf32>
      %swap3A_70 = arith.constant 0 : index
      %swap3A_71 = arith.constant 0 : index
      %swap3A_72 = vector.load %arg8[%swap3A_70, %swap3A_71] : memref<2048x128xf32, #tpu.memory_space<vmem>>, vector<2048x128xf32>
      tpu.vector_store %arg8[%swap3A_70, %swap3A_71], %broadcast_in_dim3A_69 {strides = array<i32>} : memref<2048x128xf32, #tpu.memory_space<vmem>>, vector<2048x128xf32>,
    } else {
    }
    %get3A = arith.constant 0 : index
    %get3A_2 = arith.constant 0 : index
    %get3A_3 = vector.load %arg2[%get3A, %get3A_2] : memref<2048x32xf32, #tpu.memory_space<vmem>>, vector<2048x32xf32>
    %get3A_4 = arith.constant 0 : index
    %get3A_5 = arith.constant 0 : index
    %get3A_6 = arith.constant 0 : index
    %get3A_7 = vector.load %arg1[%get3A_4, %get3A_5, %get3A_6] : memref<1x2048x48xf32, #tpu.memory_space<vmem>>, vector<1x2048x48xf32>
    %get3A_8 = vector.shape_cast %get3A_7 : vector<1x2048x48xf32> to vector<2048x48xf32>
    %concatenate3A = tpu.concatenate %get3A_3, %get3A_8 in 1 : vector<2048x32xf32>, vector<2048x48xf32> -> vector<2048x80xf32>
    %get3A_9 = arith.constant 0 : index
    %get3A_10 = arith.constant 0 : index
    %get3A_11 = vector.load %arg3[%get3A_9, %get3A_10] : memref<80x512xf32, #tpu.memory_space<vmem>>, vector<80x512xf32>
    %dot_general3A = arith.constant dense<0.000000e+00> : vector<2048x512xf32>
    %dot_general3A_12 = tpu.matmul %concatenate3A, %get3A_11, %dot_general3A {dimension_numbers = #tpu.dot_dimension_numbers<[1], [0], [0], [1], [0, 0, 1, 1], [], []>, transpose_lhs_hint = false} : vector<2048x80xf32>, vector<80x512xf32>, vector<2048x512xf32> -> vector<2048x512xf32>
    %get3A_13 = arith.constant 0 : index
    %get3A_14 = arith.constant 0 : index
    %get3A_15 = vector.load %arg7[%get3A_13, %get3A_14] : memref<2048x128xf32, #tpu.memory_space<vmem>>, vector<2048x128xf32>
    %get3A_16 = arith.constant 0 : index
    %get3A_17 = arith.constant 0 : index
    %get3A_18 = vector.load %arg4[%get3A_16, %get3A_17] : memref<128x512xf32, #tpu.memory_space<vmem>>, vector<128x512xf32>
    %dot_general3A_19 = arith.constant dense<0.000000e+00> : vector<2048x512xf32>
    %dot_general3A_20 = tpu.matmul %get3A_15, %get3A_18, %dot_general3A_19 {dimension_numbers = #tpu.dot_dimension_numbers<[1], [0], [0], [1], [0, 0, 1, 1], [], []>, transpose_lhs_hint = false} : vector<2048x128xf32>, vector<128x512xf32>, vector<2048x512xf32> -> vector<2048x512xf32>
    %add3A = arith.addf %dot_general3A_12, %dot_general3A_20 : vector<2048x512xf32>
    %get3A_21 = arith.constant 0 : index
    %get3A_22 = arith.constant 0 : index
    %get3A_23 = vector.load %arg5[%get3A_21, %get3A_22] : memref<1x512xf32, #tpu.memory_space<vmem>>, vector<1x512xf32>
    %add3A_24 = vector.broadcast %get3A_23 : vector<1x512xf32> to vector<2048x512xf32>
    %add3A_25 = arith.addf %add3A, %add3A_24 : vector<2048x512xf32>
    %slice3A = vector.extract_strided_slice %add3A_25 {offsets = [0, 0], sizes = [2048, 128], strides = [1, 1]} : vector<2048x512xf32> to vector<2048x128xf32>
    %logistic3A = arith.negf %slice3A : vector<2048x128xf32>
    %logistic3A_26 = math.exp %logistic3A : vector<2048x128xf32>
    %logistic3A_27 = arith.constant 1.000000e+00 : f32
    %logistic3A_28 = vector.broadcast %logistic3A_27 : f32 to vector<2048x128xf32>
    %logistic3A_29 = arith.addf %logistic3A_28, %logistic3A_26 : vector<2048x128xf32>
    %logistic3A_30 = arith.divf %logistic3A_28, %logistic3A_29 : vector<2048x128xf32>
    %slice3A_31 = vector.extract_strided_slice %add3A_25 {offsets = [0, 128], sizes = [2048, 128], strides = [1, 1]} : vector<2048x512xf32> to vector<2048x128xf32>
    %logistic3A_32 = arith.negf %slice3A_31 : vector<2048x128xf32>
    %logistic3A_33 = math.exp %logistic3A_32 : vector<2048x128xf32>
    %logistic3A_34 = arith.constant 1.000000e+00 : f32
    %logistic3A_35 = vector.broadcast %logistic3A_34 : f32 to vector<2048x128xf32>
    %logistic3A_36 = arith.addf %logistic3A_35, %logistic3A_33 : vector<2048x128xf32>
    %logistic3A_37 = arith.divf %logistic3A_35, %logistic3A_36 : vector<2048x128xf32>
    %slice3A_38 = vector.extract_strided_slice %add3A_25 {offsets = [0, 256], sizes = [2048, 128], strides = [1, 1]} : vector<2048x512xf32> to vector<2048x128xf32>
    %tanh3A = math.tanh %slice3A_38 : vector<2048x128xf32>
    %slice3A_39 = vector.extract_strided_slice %add3A_25 {offsets = [0, 384], sizes = [2048, 128], strides = [1, 1]} : vector<2048x512xf32> to vector<2048x128xf32>
    %logistic3A_40 = arith.negf %slice3A_39 : vector<2048x128xf32>
    %logistic3A_41 = math.exp %logistic3A_40 : vector<2048x128xf32>
    %logistic3A_42 = arith.constant 1.000000e+00 : f32
    %logistic3A_43 = vector.broadcast %logistic3A_42 : f32 to vector<2048x128xf32>
    %logistic3A_44 = arith.addf %logistic3A_43, %logistic3A_41 : vector<2048x128xf32>
    %logistic3A_45 = arith.divf %logistic3A_43, %logistic3A_44 : vector<2048x128xf32>
    %get3A_46 = arith.constant 0 : index
    %get3A_47 = arith.constant 0 : index
    %get3A_48 = vector.load %arg8[%get3A_46, %get3A_47] : memref<2048x128xf32, #tpu.memory_space<vmem>>, vector<2048x128xf32>
    %mul3A = arith.mulf %logistic3A_37, %get3A_48 : vector<2048x128xf32>
    %mul3A_49 = arith.mulf %logistic3A_30, %tanh3A : vector<2048x128xf32>
    %add3A_50 = arith.addf %mul3A, %mul3A_49 : vector<2048x128xf32>
    %tanh3A_51 = math.tanh %add3A_50 : vector<2048x128xf32>
    %mul3A_52 = arith.mulf %logistic3A_45, %tanh3A_51 : vector<2048x128xf32>
    %swap3A = arith.constant 0 : index
    %swap3A_53 = arith.constant 0 : index
    %swap3A_54 = vector.load %arg8[%swap3A, %swap3A_53] : memref<2048x128xf32, #tpu.memory_space<vmem>>, vector<2048x128xf32>
    tpu.vector_store %arg8[%swap3A, %swap3A_53], %add3A_50 {strides = array<i32>} : memref<2048x128xf32, #tpu.memory_space<vmem>>, vector<2048x128xf32>,
    %swap3A_55 = arith.constant 0 : index
    %swap3A_56 = arith.constant 0 : index
    %swap3A_57 = vector.load %arg7[%swap3A_55, %swap3A_56] : memref<2048x128xf32, #tpu.memory_space<vmem>>, vector<2048x128xf32>
    tpu.vector_store %arg7[%swap3A_55, %swap3A_56], %mul3A_52 {strides = array<i32>} : memref<2048x128xf32, #tpu.memory_space<vmem>>, vector<2048x128xf32>,
    %swap3A_58 = arith.constant 0 : index
    %swap3A_59 = arith.constant 0 : index
    %swap3A_60 = arith.constant 0 : index
    %swap3A_61 = vector.load %arg6[%swap3A_58, %swap3A_59, %swap3A_60] : memref<1x2048x128xf32, #tpu.memory_space<vmem>>, vector<1x2048x128xf32>
    %swap3A_62 = vector.shape_cast %swap3A_61 : vector<1x2048x128xf32> to vector<2048x128xf32>
    %swap3A_63 = vector.shape_cast %mul3A_52 : vector<2048x128xf32> to vector<1x2048x128xf32>
    tpu.vector_store %arg6[%swap3A_58, %swap3A_59, %swap3A_60], %swap3A_63 {strides = array<i32>} : memref<1x2048x128xf32, #tpu.memory_space<vmem>>, vector<1x2048x128xf32>,
    return
  }
  func.func @transform_0(%arg0: i32) -> (i32, i32, i32) {
    %c0_i32 = arith.constant 0 : i32
    %c0_i32_0 = arith.constant 0 : i32
    %c0_i32_1 = arith.constant 0 : i32
    return %arg0, %c0_i32, %c0_i32_0 : i32, i32, i32
  }
  func.func @transform_1(%arg0: i32) -> (i32, i32) {
    %c0_i32 = arith.constant 0 : i32
    %c0_i32_0 = arith.constant 0 : i32
    %c0_i32_1 = arith.constant 0 : i32
    return %c0_i32, %c0_i32_0 : i32, i32
  }
  func.func @transform_2(%arg0: i32) -> (i32, i32) {
    %c0_i32 = arith.constant 0 : i32
    %c0_i32_0 = arith.constant 0 : i32
    %c0_i32_1 = arith.constant 0 : i32
    return %c0_i32, %c0_i32_0 : i32, i32
  }
  func.func @transform_3(%arg0: i32) -> (i32, i32) {
    %c0_i32 = arith.constant 0 : i32
    %c0_i32_0 = arith.constant 0 : i32
    %c0_i32_1 = arith.constant 0 : i32
    return %c0_i32, %c0_i32_0 : i32, i32
  }
  func.func @transform_4(%arg0: i32) -> (i32, i32) {
    %c0_i32 = arith.constant 0 : i32
    %c0_i32_0 = arith.constant 0 : i32
    %c0_i32_1 = arith.constant 0 : i32
    return %c0_i32, %c0_i32_0 : i32, i32
  }
  func.func @transform_5(%arg0: i32) -> (i32, i32, i32) {
    %c0_i32 = arith.constant 0 : i32
    %c0_i32_0 = arith.constant 0 : i32
    %c0_i32_1 = arith.constant 0 : i32
    return %arg0, %c0_i32, %c0_i32_0 : i32, i32, i32
  }
}

module attributes {stable_mosaic.version = 14 : i64} {
  func.func @_gcn_body(%arg0: i32, %arg1: memref<1x2048x128xf32, #tpu.memory_space<vmem>>, %arg2: memref<2048x128xf32, #tpu.memory_space<vmem>>, %arg3: memref<128x128xf32, #tpu.memory_space<vmem>>, %arg4: memref<1x128xf32, #tpu.memory_space<vmem>>, %arg5: memref<128x128xf32, #tpu.memory_space<vmem>>, %arg6: memref<1x128xf32, #tpu.memory_space<vmem>>, %arg7: memref<128x1xf32, #tpu.memory_space<vmem>>, %arg8: memref<1x1xf32, #tpu.memory_space<vmem>>, %arg9: memref<1x512x4xf32, #tpu.memory_space<vmem>>, %arg10: memref<512x512xbf16, #tpu.memory_space<vmem>>, %arg11: memref<512x1xf32, #tpu.memory_space<vmem>>) attributes {dimension_semantics = [#tpu.dimension_semantics<arbitrary>], iteration_bounds = array<i64: 24>, scalar_prefetch = 0 : i64, scratch_operands = 2 : i64, tpu.core_type = #tpu.core_type<tc>, window_params = [{transform_indices = @transform_0, window_bounds = array<i64: 1, 2048, 128>}, {pipeline_mode = #tpu.pipeline_mode<synchronous>, transform_indices = @transform_1, window_bounds = array<i64: 2048, 128>}, {pipeline_mode = #tpu.pipeline_mode<synchronous>, transform_indices = @transform_2, window_bounds = array<i64: 128, 128>}, {pipeline_mode = #tpu.pipeline_mode<synchronous>, transform_indices = @transform_3, window_bounds = array<i64: 1, 128>}, {pipeline_mode = #tpu.pipeline_mode<synchronous>, transform_indices = @transform_4, window_bounds = array<i64: 128, 128>}, {pipeline_mode = #tpu.pipeline_mode<synchronous>, transform_indices = @transform_5, window_bounds = array<i64: 1, 128>}, {pipeline_mode = #tpu.pipeline_mode<synchronous>, transform_indices = @transform_6, window_bounds = array<i64: 128, 1>}, {pipeline_mode = #tpu.pipeline_mode<synchronous>, transform_indices = @transform_7, window_bounds = array<i64: 1, 1>}, {transform_indices = @transform_8, window_bounds = array<i64: 1, 512, 4>}]} {
    %eq3A = arith.constant 0 : i32
    %eq3A_0 = arith.cmpi eq, %arg0, %eq3A : i32
    %convert_element_type3A = arith.extui %eq3A_0 : i1 to i32
    %cond3A = arith.constant 0 : i32
    %cond3A_1 = arith.cmpi ne, %convert_element_type3A, %cond3A : i32
    scf.if %cond3A_1 {
      %get3A_152 = arith.constant 0 : index
      %get3A_153 = arith.constant 0 : index
      %get3A_154 = vector.load %arg2[%get3A_152, %get3A_153] : memref<2048x128xf32, #tpu.memory_space<vmem>>, vector<2048x128xf32>
      %reshape3A = vector.shape_cast %get3A_154 : vector<2048x128xf32> to vector<512x512xf32>
      %iota3A = tpu.iota {dimensions = array<i32: 0>} : vector<512x512xi32>
      %iota3A_155 = tpu.iota {dimensions = array<i32: 1>} : vector<512x512xi32>
      %min3A = arith.constant 1.000000e+00 : f32
      %min3A_156 = vector.broadcast %min3A : f32 to vector<512x512xf32>
      %min3A_157 = arith.minimumf %reshape3A, %min3A_156 : vector<512x512xf32>
      %eq3A_158 = arith.cmpi eq, %iota3A, %iota3A_155 : vector<512x512xi32>
      %convert_element_type3A_159 = arith.extui %eq3A_158 : vector<512x512xi1> to vector<512x512xi32>
      %convert_element_type3A_160 = arith.sitofp %convert_element_type3A_159 : vector<512x512xi32> to vector<512x512xf32>
      %add3A_161 = arith.addf %min3A_157, %convert_element_type3A_160 : vector<512x512xf32>
      %convert_element_type3A_162 = arith.truncf %add3A_161 : vector<512x512xf32> to vector<512x512xbf16>
      %swap3A_163 = arith.constant 0 : index
      %swap3A_164 = arith.constant 0 : index
      %swap3A_165 = vector.load %arg10[%swap3A_163, %swap3A_164] : memref<512x512xbf16, #tpu.memory_space<vmem>>, vector<512x512xbf16>
      tpu.vector_store %arg10[%swap3A_163, %swap3A_164], %convert_element_type3A_162 {strides = array<i32>} : memref<512x512xbf16, #tpu.memory_space<vmem>>, vector<512x512xbf16>,
      %reduce_sum3A = arith.constant dense<0.000000e+00> : vector<512xf32>
      %reduce_sum3A_166 = vector.multi_reduction <add>, %add3A_161, %reduce_sum3A [1] : vector<512x512xf32> to vector<512xf32>
      %broadcast_in_dim3A = vector.shape_cast %reduce_sum3A_166 : vector<512xf32> to vector<512x1xf32>
      %rsqrt3A = math.rsqrt %broadcast_in_dim3A : vector<512x1xf32>
      %swap3A_167 = arith.constant 0 : index
      %swap3A_168 = arith.constant 0 : index
      %swap3A_169 = vector.load %arg11[%swap3A_167, %swap3A_168] : memref<512x1xf32, #tpu.memory_space<vmem>>, vector<512x1xf32>
      tpu.vector_store %arg11[%swap3A_167, %swap3A_168], %rsqrt3A {strides = array<i32>} : memref<512x1xf32, #tpu.memory_space<vmem>>, vector<512x1xf32>,
    } else {
    }
    %get3A = arith.constant 0 : index
    %get3A_2 = arith.constant 0 : index
    %get3A_3 = arith.constant 0 : index
    %get3A_4 = vector.load %arg1[%get3A, %get3A_2, %get3A_3] : memref<1x2048x128xf32, #tpu.memory_space<vmem>>, vector<1x2048x128xf32>
    %get3A_5 = vector.shape_cast %get3A_4 : vector<1x2048x128xf32> to vector<2048x128xf32>
    %get3A_6 = arith.constant 0 : index
    %get3A_7 = arith.constant 0 : index
    %get3A_8 = vector.load %arg10[%get3A_6, %get3A_7] : memref<512x512xbf16, #tpu.memory_space<vmem>>, vector<512x512xbf16>
    %get3A_9 = arith.constant 0 : index
    %get3A_10 = arith.constant 0 : index
    %get3A_11 = vector.load %arg11[%get3A_9, %get3A_10] : memref<512x1xf32, #tpu.memory_space<vmem>>, vector<512x1xf32>
    %slice3A = vector.extract_strided_slice %get3A_5 {offsets = [0, 0], sizes = [512, 128], strides = [1, 1]} : vector<2048x128xf32> to vector<512x128xf32>
    %max3A = arith.constant 0.000000e+00 : f32
    %max3A_12 = vector.broadcast %max3A : f32 to vector<512x128xf32>
    %max3A_13 = arith.maximumf %slice3A, %max3A_12 : vector<512x128xf32>
    %get3A_14 = arith.constant 0 : index
    %get3A_15 = arith.constant 0 : index
    %get3A_16 = vector.load %arg3[%get3A_14, %get3A_15] : memref<128x128xf32, #tpu.memory_space<vmem>>, vector<128x128xf32>
    %dot_general3A = arith.constant dense<0.000000e+00> : vector<512x128xf32>
    %dot_general3A_17 = tpu.matmul %max3A_13, %get3A_16, %dot_general3A {dimension_numbers = #tpu.dot_dimension_numbers<[1], [0], [0], [1], [0, 0, 1, 1], [], []>, transpose_lhs_hint = false} : vector<512x128xf32>, vector<128x128xf32>, vector<512x128xf32> -> vector<512x128xf32>
    %slice3A_18 = vector.extract_strided_slice %get3A_5 {offsets = [512, 0], sizes = [512, 128], strides = [1, 1]} : vector<2048x128xf32> to vector<512x128xf32>
    %max3A_19 = arith.constant 0.000000e+00 : f32
    %max3A_20 = vector.broadcast %max3A_19 : f32 to vector<512x128xf32>
    %max3A_21 = arith.maximumf %slice3A_18, %max3A_20 : vector<512x128xf32>
    %get3A_22 = arith.constant 0 : index
    %get3A_23 = arith.constant 0 : index
    %get3A_24 = vector.load %arg3[%get3A_22, %get3A_23] : memref<128x128xf32, #tpu.memory_space<vmem>>, vector<128x128xf32>
    %dot_general3A_25 = arith.constant dense<0.000000e+00> : vector<512x128xf32>
    %dot_general3A_26 = tpu.matmul %max3A_21, %get3A_24, %dot_general3A_25 {dimension_numbers = #tpu.dot_dimension_numbers<[1], [0], [0], [1], [0, 0, 1, 1], [], []>, transpose_lhs_hint = false} : vector<512x128xf32>, vector<128x128xf32>, vector<512x128xf32> -> vector<512x128xf32>
    %slice3A_27 = vector.extract_strided_slice %get3A_5 {offsets = [1024, 0], sizes = [512, 128], strides = [1, 1]} : vector<2048x128xf32> to vector<512x128xf32>
    %max3A_28 = arith.constant 0.000000e+00 : f32
    %max3A_29 = vector.broadcast %max3A_28 : f32 to vector<512x128xf32>
    %max3A_30 = arith.maximumf %slice3A_27, %max3A_29 : vector<512x128xf32>
    %get3A_31 = arith.constant 0 : index
    %get3A_32 = arith.constant 0 : index
    %get3A_33 = vector.load %arg3[%get3A_31, %get3A_32] : memref<128x128xf32, #tpu.memory_space<vmem>>, vector<128x128xf32>
    %dot_general3A_34 = arith.constant dense<0.000000e+00> : vector<512x128xf32>
    %dot_general3A_35 = tpu.matmul %max3A_30, %get3A_33, %dot_general3A_34 {dimension_numbers = #tpu.dot_dimension_numbers<[1], [0], [0], [1], [0, 0, 1, 1], [], []>, transpose_lhs_hint = false} : vector<512x128xf32>, vector<128x128xf32>, vector<512x128xf32> -> vector<512x128xf32>
    %slice3A_36 = vector.extract_strided_slice %get3A_5 {offsets = [1536, 0], sizes = [512, 128], strides = [1, 1]} : vector<2048x128xf32> to vector<512x128xf32>
    %max3A_37 = arith.constant 0.000000e+00 : f32
    %max3A_38 = vector.broadcast %max3A_37 : f32 to vector<512x128xf32>
    %max3A_39 = arith.maximumf %slice3A_36, %max3A_38 : vector<512x128xf32>
    %get3A_40 = arith.constant 0 : index
    %get3A_41 = arith.constant 0 : index
    %get3A_42 = vector.load %arg3[%get3A_40, %get3A_41] : memref<128x128xf32, #tpu.memory_space<vmem>>, vector<128x128xf32>
    %dot_general3A_43 = arith.constant dense<0.000000e+00> : vector<512x128xf32>
    %dot_general3A_44 = tpu.matmul %max3A_39, %get3A_42, %dot_general3A_43 {dimension_numbers = #tpu.dot_dimension_numbers<[1], [0], [0], [1], [0, 0, 1, 1], [], []>, transpose_lhs_hint = false} : vector<512x128xf32>, vector<128x128xf32>, vector<512x128xf32> -> vector<512x128xf32>
    %concatenate3A = tpu.concatenate %dot_general3A_17, %dot_general3A_26, %dot_general3A_35, %dot_general3A_44 in 1 : vector<512x128xf32>, vector<512x128xf32>, vector<512x128xf32>, vector<512x128xf32> -> vector<512x512xf32>
    %get3A_45 = arith.constant 0 : index
    %get3A_46 = arith.constant 0 : index
    %get3A_47 = vector.load %arg4[%get3A_45, %get3A_46] : memref<1x128xf32, #tpu.memory_space<vmem>>, vector<1x128xf32>
    %concatenate3A_48 = tpu.concatenate %get3A_47, %get3A_47, %get3A_47, %get3A_47 in 1 : vector<1x128xf32>, vector<1x128xf32>, vector<1x128xf32>, vector<1x128xf32> -> vector<1x512xf32>
    %mul3A = vector.broadcast %get3A_11 : vector<512x1xf32> to vector<512x512xf32>
    %mul3A_49 = arith.mulf %concatenate3A, %mul3A : vector<512x512xf32>
    %convert_element_type3A_50 = arith.truncf %mul3A_49 : vector<512x512xf32> to vector<512x512xbf16>
    %convert_element_type3A_51 = arith.extf %convert_element_type3A_50 : vector<512x512xbf16> to vector<512x512xf32>
    %sub3A = arith.subf %mul3A_49, %convert_element_type3A_51 : vector<512x512xf32>
    %convert_element_type3A_52 = arith.truncf %sub3A : vector<512x512xf32> to vector<512x512xbf16>
    %dot_general3A_53 = arith.constant dense<0.000000e+00> : vector<512x512xf32>
    %dot_general3A_54 = tpu.matmul %get3A_8, %convert_element_type3A_50, %dot_general3A_53 {dimension_numbers = #tpu.dot_dimension_numbers<[1], [0], [0], [1], [0, 0, 1, 1], [], []>, transpose_lhs_hint = false} : vector<512x512xbf16>, vector<512x512xbf16>, vector<512x512xf32> -> vector<512x512xf32>
    %dot_general3A_55 = arith.constant dense<0.000000e+00> : vector<512x512xf32>
    %dot_general3A_56 = tpu.matmul %get3A_8, %convert_element_type3A_52, %dot_general3A_55 {dimension_numbers = #tpu.dot_dimension_numbers<[1], [0], [0], [1], [0, 0, 1, 1], [], []>, transpose_lhs_hint = false} : vector<512x512xbf16>, vector<512x512xbf16>, vector<512x512xf32> -> vector<512x512xf32>
    %add3A = arith.addf %dot_general3A_54, %dot_general3A_56 : vector<512x512xf32>
    %mul3A_57 = vector.broadcast %get3A_11 : vector<512x1xf32> to vector<512x512xf32>
    %mul3A_58 = arith.mulf %add3A, %mul3A_57 : vector<512x512xf32>
    %add3A_59 = vector.broadcast %concatenate3A_48 : vector<1x512xf32> to vector<512x512xf32>
    %add3A_60 = arith.addf %mul3A_58, %add3A_59 : vector<512x512xf32>
    %slice3A_61 = vector.extract_strided_slice %add3A_60 {offsets = [0, 0], sizes = [512, 128], strides = [1, 1]} : vector<512x512xf32> to vector<512x128xf32>
    %max3A_62 = arith.constant 0.000000e+00 : f32
    %max3A_63 = vector.broadcast %max3A_62 : f32 to vector<512x128xf32>
    %max3A_64 = arith.maximumf %slice3A_61, %max3A_63 : vector<512x128xf32>
    %get3A_65 = arith.constant 0 : index
    %get3A_66 = arith.constant 0 : index
    %get3A_67 = vector.load %arg5[%get3A_65, %get3A_66] : memref<128x128xf32, #tpu.memory_space<vmem>>, vector<128x128xf32>
    %dot_general3A_68 = arith.constant dense<0.000000e+00> : vector<512x128xf32>
    %dot_general3A_69 = tpu.matmul %max3A_64, %get3A_67, %dot_general3A_68 {dimension_numbers = #tpu.dot_dimension_numbers<[1], [0], [0], [1], [0, 0, 1, 1], [], []>, transpose_lhs_hint = false} : vector<512x128xf32>, vector<128x128xf32>, vector<512x128xf32> -> vector<512x128xf32>
    %slice3A_70 = vector.extract_strided_slice %add3A_60 {offsets = [0, 128], sizes = [512, 128], strides = [1, 1]} : vector<512x512xf32> to vector<512x128xf32>
    %max3A_71 = arith.constant 0.000000e+00 : f32
    %max3A_72 = vector.broadcast %max3A_71 : f32 to vector<512x128xf32>
    %max3A_73 = arith.maximumf %slice3A_70, %max3A_72 : vector<512x128xf32>
    %get3A_74 = arith.constant 0 : index
    %get3A_75 = arith.constant 0 : index
    %get3A_76 = vector.load %arg5[%get3A_74, %get3A_75] : memref<128x128xf32, #tpu.memory_space<vmem>>, vector<128x128xf32>
    %dot_general3A_77 = arith.constant dense<0.000000e+00> : vector<512x128xf32>
    %dot_general3A_78 = tpu.matmul %max3A_73, %get3A_76, %dot_general3A_77 {dimension_numbers = #tpu.dot_dimension_numbers<[1], [0], [0], [1], [0, 0, 1, 1], [], []>, transpose_lhs_hint = false} : vector<512x128xf32>, vector<128x128xf32>, vector<512x128xf32> -> vector<512x128xf32>
    %slice3A_79 = vector.extract_strided_slice %add3A_60 {offsets = [0, 256], sizes = [512, 128], strides = [1, 1]} : vector<512x512xf32> to vector<512x128xf32>
    %max3A_80 = arith.constant 0.000000e+00 : f32
    %max3A_81 = vector.broadcast %max3A_80 : f32 to vector<512x128xf32>
    %max3A_82 = arith.maximumf %slice3A_79, %max3A_81 : vector<512x128xf32>
    %get3A_83 = arith.constant 0 : index
    %get3A_84 = arith.constant 0 : index
    %get3A_85 = vector.load %arg5[%get3A_83, %get3A_84] : memref<128x128xf32, #tpu.memory_space<vmem>>, vector<128x128xf32>
    %dot_general3A_86 = arith.constant dense<0.000000e+00> : vector<512x128xf32>
    %dot_general3A_87 = tpu.matmul %max3A_82, %get3A_85, %dot_general3A_86 {dimension_numbers = #tpu.dot_dimension_numbers<[1], [0], [0], [1], [0, 0, 1, 1], [], []>, transpose_lhs_hint = false} : vector<512x128xf32>, vector<128x128xf32>, vector<512x128xf32> -> vector<512x128xf32>
    %slice3A_88 = vector.extract_strided_slice %add3A_60 {offsets = [0, 384], sizes = [512, 128], strides = [1, 1]} : vector<512x512xf32> to vector<512x128xf32>
    %max3A_89 = arith.constant 0.000000e+00 : f32
    %max3A_90 = vector.broadcast %max3A_89 : f32 to vector<512x128xf32>
    %max3A_91 = arith.maximumf %slice3A_88, %max3A_90 : vector<512x128xf32>
    %get3A_92 = arith.constant 0 : index
    %get3A_93 = arith.constant 0 : index
    %get3A_94 = vector.load %arg5[%get3A_92, %get3A_93] : memref<128x128xf32, #tpu.memory_space<vmem>>, vector<128x128xf32>
    %dot_general3A_95 = arith.constant dense<0.000000e+00> : vector<512x128xf32>
    %dot_general3A_96 = tpu.matmul %max3A_91, %get3A_94, %dot_general3A_95 {dimension_numbers = #tpu.dot_dimension_numbers<[1], [0], [0], [1], [0, 0, 1, 1], [], []>, transpose_lhs_hint = false} : vector<512x128xf32>, vector<128x128xf32>, vector<512x128xf32> -> vector<512x128xf32>
    %concatenate3A_97 = tpu.concatenate %dot_general3A_69, %dot_general3A_78, %dot_general3A_87, %dot_general3A_96 in 1 : vector<512x128xf32>, vector<512x128xf32>, vector<512x128xf32>, vector<512x128xf32> -> vector<512x512xf32>
    %get3A_98 = arith.constant 0 : index
    %get3A_99 = arith.constant 0 : index
    %get3A_100 = vector.load %arg6[%get3A_98, %get3A_99] : memref<1x128xf32, #tpu.memory_space<vmem>>, vector<1x128xf32>
    %concatenate3A_101 = tpu.concatenate %get3A_100, %get3A_100, %get3A_100, %get3A_100 in 1 : vector<1x128xf32>, vector<1x128xf32>, vector<1x128xf32>, vector<1x128xf32> -> vector<1x512xf32>
    %mul3A_102 = vector.broadcast %get3A_11 : vector<512x1xf32> to vector<512x512xf32>
    %mul3A_103 = arith.mulf %concatenate3A_97, %mul3A_102 : vector<512x512xf32>
    %convert_element_type3A_104 = arith.truncf %mul3A_103 : vector<512x512xf32> to vector<512x512xbf16>
    %convert_element_type3A_105 = arith.extf %convert_element_type3A_104 : vector<512x512xbf16> to vector<512x512xf32>
    %sub3A_106 = arith.subf %mul3A_103, %convert_element_type3A_105 : vector<512x512xf32>
    %convert_element_type3A_107 = arith.truncf %sub3A_106 : vector<512x512xf32> to vector<512x512xbf16>
    %dot_general3A_108 = arith.constant dense<0.000000e+00> : vector<512x512xf32>
    %dot_general3A_109 = tpu.matmul %get3A_8, %convert_element_type3A_104, %dot_general3A_108 {dimension_numbers = #tpu.dot_dimension_numbers<[1], [0], [0], [1], [0, 0, 1, 1], [], []>, transpose_lhs_hint = false} : vector<512x512xbf16>, vector<512x512xbf16>, vector<512x512xf32> -> vector<512x512xf32>
    %dot_general3A_110 = arith.constant dense<0.000000e+00> : vector<512x512xf32>
    %dot_general3A_111 = tpu.matmul %get3A_8, %convert_element_type3A_107, %dot_general3A_110 {dimension_numbers = #tpu.dot_dimension_numbers<[1], [0], [0], [1], [0, 0, 1, 1], [], []>, transpose_lhs_hint = false} : vector<512x512xbf16>, vector<512x512xbf16>, vector<512x512xf32> -> vector<512x512xf32>
    %add3A_112 = arith.addf %dot_general3A_109, %dot_general3A_111 : vector<512x512xf32>
    %mul3A_113 = vector.broadcast %get3A_11 : vector<512x1xf32> to vector<512x512xf32>
    %mul3A_114 = arith.mulf %add3A_112, %mul3A_113 : vector<512x512xf32>
    %add3A_115 = vector.broadcast %concatenate3A_101 : vector<1x512xf32> to vector<512x512xf32>
    %add3A_116 = arith.addf %mul3A_114, %add3A_115 : vector<512x512xf32>
    %slice3A_117 = vector.extract_strided_slice %add3A_116 {offsets = [0, 0], sizes = [512, 128], strides = [1, 1]} : vector<512x512xf32> to vector<512x128xf32>
    %get3A_118 = arith.constant 0 : index
    %get3A_119 = arith.constant 0 : index
    %get3A_120 = vector.load %arg7[%get3A_118, %get3A_119] : memref<128x1xf32, #tpu.memory_space<vmem>>, vector<128x1xf32>
    %dot_general3A_121 = arith.constant dense<0.000000e+00> : vector<512x1xf32>
    %dot_general3A_122 = tpu.matmul %slice3A_117, %get3A_120, %dot_general3A_121 {dimension_numbers = #tpu.dot_dimension_numbers<[1], [0], [0], [1], [0, 0, 1, 1], [], []>, transpose_lhs_hint = false} : vector<512x128xf32>, vector<128x1xf32>, vector<512x1xf32> -> vector<512x1xf32>
    %slice3A_123 = vector.extract_strided_slice %add3A_116 {offsets = [0, 128], sizes = [512, 128], strides = [1, 1]} : vector<512x512xf32> to vector<512x128xf32>
    %get3A_124 = arith.constant 0 : index
    %get3A_125 = arith.constant 0 : index
    %get3A_126 = vector.load %arg7[%get3A_124, %get3A_125] : memref<128x1xf32, #tpu.memory_space<vmem>>, vector<128x1xf32>
    %dot_general3A_127 = arith.constant dense<0.000000e+00> : vector<512x1xf32>
    %dot_general3A_128 = tpu.matmul %slice3A_123, %get3A_126, %dot_general3A_127 {dimension_numbers = #tpu.dot_dimension_numbers<[1], [0], [0], [1], [0, 0, 1, 1], [], []>, transpose_lhs_hint = false} : vector<512x128xf32>, vector<128x1xf32>, vector<512x1xf32> -> vector<512x1xf32>
    %slice3A_129 = vector.extract_strided_slice %add3A_116 {offsets = [0, 256], sizes = [512, 128], strides = [1, 1]} : vector<512x512xf32> to vector<512x128xf32>
    %get3A_130 = arith.constant 0 : index
    %get3A_131 = arith.constant 0 : index
    %get3A_132 = vector.load %arg7[%get3A_130, %get3A_131] : memref<128x1xf32, #tpu.memory_space<vmem>>, vector<128x1xf32>
    %dot_general3A_133 = arith.constant dense<0.000000e+00> : vector<512x1xf32>
    %dot_general3A_134 = tpu.matmul %slice3A_129, %get3A_132, %dot_general3A_133 {dimension_numbers = #tpu.dot_dimension_numbers<[1], [0], [0], [1], [0, 0, 1, 1], [], []>, transpose_lhs_hint = false} : vector<512x128xf32>, vector<128x1xf32>, vector<512x1xf32> -> vector<512x1xf32>
    %slice3A_135 = vector.extract_strided_slice %add3A_116 {offsets = [0, 384], sizes = [512, 128], strides = [1, 1]} : vector<512x512xf32> to vector<512x128xf32>
    %get3A_136 = arith.constant 0 : index
    %get3A_137 = arith.constant 0 : index
    %get3A_138 = vector.load %arg7[%get3A_136, %get3A_137] : memref<128x1xf32, #tpu.memory_space<vmem>>, vector<128x1xf32>
    %dot_general3A_139 = arith.constant dense<0.000000e+00> : vector<512x1xf32>
    %dot_general3A_140 = tpu.matmul %slice3A_135, %get3A_138, %dot_general3A_139 {dimension_numbers = #tpu.dot_dimension_numbers<[1], [0], [0], [1], [0, 0, 1, 1], [], []>, transpose_lhs_hint = false} : vector<512x128xf32>, vector<128x1xf32>, vector<512x1xf32> -> vector<512x1xf32>
    %concatenate3A_141 = tpu.concatenate %dot_general3A_122, %dot_general3A_128, %dot_general3A_134, %dot_general3A_140 in 1 : vector<512x1xf32>, vector<512x1xf32>, vector<512x1xf32>, vector<512x1xf32> -> vector<512x4xf32>
    %get3A_142 = arith.constant 0 : index
    %get3A_143 = arith.constant 0 : index
    %get3A_144 = vector.load %arg8[%get3A_142, %get3A_143] : memref<1x1xf32, #tpu.memory_space<vmem>>, vector<1x1xf32>
    %add3A_145 = vector.broadcast %get3A_144 : vector<1x1xf32> to vector<512x4xf32>
    %add3A_146 = arith.addf %concatenate3A_141, %add3A_145 : vector<512x4xf32>
    %swap3A = arith.constant 0 : index
    %swap3A_147 = arith.constant 0 : index
    %swap3A_148 = arith.constant 0 : index
    %swap3A_149 = vector.load %arg9[%swap3A, %swap3A_147, %swap3A_148] : memref<1x512x4xf32, #tpu.memory_space<vmem>>, vector<1x512x4xf32>
    %swap3A_150 = vector.shape_cast %swap3A_149 : vector<1x512x4xf32> to vector<512x4xf32>
    %swap3A_151 = vector.shape_cast %add3A_146 : vector<512x4xf32> to vector<1x512x4xf32>
    tpu.vector_store %arg9[%swap3A, %swap3A_147, %swap3A_148], %swap3A_151 {strides = array<i32>} : memref<1x512x4xf32, #tpu.memory_space<vmem>>, vector<1x512x4xf32>,
    return
  }
  func.func @transform_0(%arg0: i32) -> (i32, i32, i32) {
    %c0_i32 = arith.constant 0 : i32
    %c0_i32_0 = arith.constant 0 : i32
    %c0_i32_1 = arith.constant 0 : i32
    return %arg0, %c0_i32, %c0_i32_0 : i32, i32, i32
  }
  func.func @transform_1(%arg0: i32) -> (i32, i32) {
    %c0_i32 = arith.constant 0 : i32
    %c0_i32_0 = arith.constant 0 : i32
    %c0_i32_1 = arith.constant 0 : i32
    return %c0_i32, %c0_i32_0 : i32, i32
  }
  func.func @transform_2(%arg0: i32) -> (i32, i32) {
    %c0_i32 = arith.constant 0 : i32
    %c0_i32_0 = arith.constant 0 : i32
    %c0_i32_1 = arith.constant 0 : i32
    return %c0_i32, %c0_i32_0 : i32, i32
  }
  func.func @transform_3(%arg0: i32) -> (i32, i32) {
    %c0_i32 = arith.constant 0 : i32
    %c0_i32_0 = arith.constant 0 : i32
    %c0_i32_1 = arith.constant 0 : i32
    return %c0_i32, %c0_i32_0 : i32, i32
  }
  func.func @transform_4(%arg0: i32) -> (i32, i32) {
    %c0_i32 = arith.constant 0 : i32
    %c0_i32_0 = arith.constant 0 : i32
    %c0_i32_1 = arith.constant 0 : i32
    return %c0_i32, %c0_i32_0 : i32, i32
  }
  func.func @transform_5(%arg0: i32) -> (i32, i32) {
    %c0_i32 = arith.constant 0 : i32
    %c0_i32_0 = arith.constant 0 : i32
    %c0_i32_1 = arith.constant 0 : i32
    return %c0_i32, %c0_i32_0 : i32, i32
  }
  func.func @transform_6(%arg0: i32) -> (i32, i32) {
    %c0_i32 = arith.constant 0 : i32
    %c0_i32_0 = arith.constant 0 : i32
    %c0_i32_1 = arith.constant 0 : i32
    return %c0_i32, %c0_i32_0 : i32, i32
  }
  func.func @transform_7(%arg0: i32) -> (i32, i32) {
    %c0_i32 = arith.constant 0 : i32
    %c0_i32_0 = arith.constant 0 : i32
    %c0_i32_1 = arith.constant 0 : i32
    return %c0_i32, %c0_i32_0 : i32, i32
  }
  func.func @transform_8(%arg0: i32) -> (i32, i32, i32) {
    %c0_i32 = arith.constant 0 : i32
    %c0_i32_0 = arith.constant 0 : i32
    %c0_i32_1 = arith.constant 0 : i32
    return %arg0, %c0_i32, %c0_i32_0 : i32, i32, i32
  }
}

</mosaic_0001>

<sc_bundles>
// kernel: kernel.5.cloned.1.call-start
scs
__scs_entry_jumppad:
0x0: {  	(pc) =	sbr.rel $0x88, $3  }
0x1: {  	(tag) =	ssettag $0x0;
	lr =	simm.s32 $0x1  }
0x2: {  	[smem:$0x3F94] =	sst lr;
	_ =	strace $0xD0000000  }
0x3: {  	_ = 	snop  }
0x4: {  	_ = 	snop  }
0x5: {  	_ = 	snop  }
0x6: {  	_ = 	snop  }
0x7: {  	_ = 	snop  }
__scs_overlays_trampoline_lowered:
0x8: {  	[smem:$0x3FA3] =	sst s0  }
0x9: {  	[smem:$0x3FA4] =	sst s1  }
0xa: {  	[smem:$0x3FA5] =	sst s2  }
0xb: {  	[smem:$0x3FA6] =	sst s3  }
0xc: {  	[smem:$0x3FA7] =	sst s4  }
0xd: {  	[smem:$0x3FA8] =	sst s5  }
0xe: {  	[smem:$0x3FA9] =	sst s6  }
0xf: {  	[smem:$0x3FAA] =	sst s7  }
0x10: {  	[smem:$0x3FAB] =	sst s8  }
0x11: {  	[smem:$0x3FAC] =	sst s9;
	s0 =	simm.s32 @!p0 $0x0  }
0x12: {  	s1 =	sld [smem:$0x3F92];
	s0 =	simm.s32 @p0 $0x1  }
0x13: {  	[smem:$0x3FAD] =	sst s0;
	s0 =	simm.s32 @!p1 $0x0  }
0x14: {  	s2 =	sld [smem:$0x3F91];
	s0 =	simm.s32 @p1 $0x1  }
0x15: {  	[smem:$0x3FAE] =	sst s0;
	s0 =	simm.s32 @!p2 $0x0  }
0x16: {  	s3 =	sld [smem:$0x3FDB];
	s0 =	simm.s32 @p2 $0x1  }
0x17: {  	s4 =	simm.s32 $0x1BF5;
	[smem:$0x3FB0] =	sst s0  }
0x18: {  	s0 =	sld [smem:$0x3F93];
	_ =	swait.ge [sflag:s4], $0x0  }
0x19: {  	s7 =	sld [smem:$0x3F94]  }
0x1a: {  	s8 =	sadd.s32 $0xFFFFE003, lr  }
0x1b: {  	s9 =	sadd.s32 $0xFFFFFEF7, lr;
	s5 =	simm.s32 $0xFFFFFFFF;
	p2 =	slt.u32 s8, $0xFFFFF086  }
0x1c: {  	p1 =	slt.u32 s9, $0xF7A;
	s5 =	simm.s32 @!p2 $0x0  }
0x1d: {  	s5 =	simm.s32 @p1 $0x1;
	p0 =	seq.s32 s7, s2  }
0x1e: {  	s7 =	smul.u32 @!p0 $0xF7A, s2;
	p2 =	seq.s32 @!p0 s5, $0x0  }
0x1f: {  	s9 =	smul.u32 $0xF7A, s1;
	s8 =	simm.s32 @!p0 $0x1BF5;
	p2 =	por !p2, p0  }
0x20: {  	[sflag:s8] =	ssyncset.s32 @!p0 $0xFFFFF086;
	s6 =	sadd.s32 @!p0 s3, s7;
	s7 =	simm.s32 @!p0 $0x108  }
0x21: {  	s3 =	sadd.s32 s3, s9;
	s6 =	sadd.s32 @!p0 $0x88, s6;
	s7 =	simm.s32 @p2 $0x1082  }
0x22: {  	[simem:s7], [sflag:s8] =	dma.local @!p0 [hbm:s6], $0xF7A  }
0x23: {  	s9 =	sor.u32 $0xD0000000, s2;
	s6 =	simm.s32 $0x108;
	_ =	swait.ge @!p0 [sflag:s8], $0x0  }
0x24: {  	s3 =	sadd.s32 $0x88, s3;
	s6 =	simm.s32 @!p1 $0x1082;
	[sflag:s4] =	ssyncset.s32 $0xFFFFF086  }
0x25: {  	[simem:s6], [sflag:s4] =	dma.local [hbm:s3], $0xF7A  }
0x26: {  	[smem:$0x3F94] =	sst s1;
	(tag) =	ssettag s2;
	_ =	strace s9  }
0x27: {  	s1 =	sld [smem:$0x3FA4]  }
0x28: {  	s2 =	sld [smem:$0x3FA5]  }
0x29: {  	s4 =	sld [smem:$0x3FA7]  }
0x2a: {  	p0 =	seq.s32 s5, $0x0;
	s5 =	sld [smem:$0x3FA8]  }
0x2b: {  	s6 =	sld [smem:$0x3FA9]  }
0x2c: {  	s7 =	sld [smem:$0x3FAA]  }
0x2d: {  	s3 =	simm.s32 $0x108;
	s8 =	sld [smem:$0x3FAB]  }
0x2e: {  	s3 =	simm.s32 @!p0 $0x1082;
	s9 =	sld [smem:$0x3FAC]  }
0x2f: {  	lr =	sadd.s32 s0, s3;
	s0 =	sld [smem:$0x3FA3]  }
0x30: {  	s3 =	sld [smem:$0x3FA6]  }
0x31: {  	[smem:$0x3FAF] =	sst s10  }
0x32: {  	s10 =	sld [smem:$0x3FAD];
	_ =	sdelay $0x3  }
0x33: {  	p0 =	seq.s32 s10, $0x1;
	s10 =	sld [smem:$0x3FAF];
	_ =	sdelay $0x3  }
0x34: {  	[smem:$0x3FAF] =	sst s10  }
0x35: {  	s10 =	sld [smem:$0x3FAE];
	_ =	sdelay $0x3  }
0x36: {  	p1 =	seq.s32 s10, $0x1;
	s10 =	sld [smem:$0x3FAF];
	_ =	sdelay $0x3  }
0x37: {  	[smem:$0x3FAF] =	sst s10  }
0x38: {  	s10 =	sld [smem:$0x3FB0]  }
0x39: {  	_ = 	snop;
	(pc) =	sbr.ind lr, $3  }
0x3a: {  	_ = 	snop  }
0x3b: {  	_ = 	snop  }
0x3c: {  	p2 =	seq.s32 s10, $0x1;
	s10 =	sld [smem:$0x3FAF]  }
0x3d: {  	_ =	shalt  }
0x3e: {  	_ =	shalt  }
0x3f: {  	_ =	shalt  }
0x40: {  	_ =	shalt  }
0x41: {  	_ =	shalt  }
0x42: {  	_ =	shalt  }
0x43: {  	_ =	shalt  }
0x44: {  	_ =	shalt  }
0x45: {  	_ =	shalt  }
0x46: {  	_ =	shalt  }
0x47: {  	_ =	shalt  }
0x48: {  	_ =	shalt  }
0x49: {  	_ =	shalt  }
0x4a: {  	_ =	shalt  }
0x4b: {  	_ =	shalt  }
0x4c: {  	_ =	shalt  }
0x4d: {  	_ =	shalt  }
0x4e: {  	_ =	shalt  }
0x4f: {  	_ =	shalt  }
0x50: {  	_ =	shalt  }
0x51: {  	_ =	shalt  }
0x52: {  	_ =	shalt  }
0x53: {  	_ =	shalt  }
0x54: {  	_ =	shalt  }
0x55: {  	_ =	shalt  }
0x56: {  	_ =	shalt  }
0x57: {  	_ =	shalt  }
0x58: {  	_ =	shalt  }
0x59: {  	_ =	shalt  }
0x5a: {  	_ =	shalt  }
0x5b: {  	_ =	shalt  }
0x5c: {  	_ =	shalt  }
0x5d: {  	_ =	shalt  }
0x5e: {  	_ =	shalt  }
0x5f: {  	_ =	shalt  }
0x60: {  	_ =	shalt  }
0x61: {  	_ =	shalt  }
0x62: {  	_ =	shalt  }
0x63: {  	_ =	shalt  }
0x64: {  	_ =	shalt  }
0x65: {  	_ =	shalt  }
0x66: {  	_ =	shalt  }
0x67: {  	_ =	shalt  }
0x68: {  	_ =	shalt  }
0x69: {  	_ =	shalt  }
0x6a: {  	_ =	shalt  }
0x6b: {  	_ =	shalt  }
0x6c: {  	_ =	shalt  }
0x6d: {  	_ =	shalt  }
0x6e: {  	_ =	shalt  }
0x6f: {  	_ =	shalt  }
0x70: {  	_ =	shalt  }
0x71: {  	_ =	shalt  }
0x72: {  	_ =	shalt  }
0x73: {  	_ =	shalt  }
0x74: {  	_ =	shalt  }
0x75: {  	_ =	shalt  }
0x76: {  	_ =	shalt  }
0x77: {  	_ =	shalt  }
0x78: {  	_ =	shalt  }
0x79: {  	_ =	shalt  }
0x7a: {  	_ =	shalt  }
0x7b: {  	_ =	shalt  }
0x7c: {  	_ =	shalt  }
0x7d: {  	_ =	shalt  }
0x7e: {  	_ =	shalt  }
0x7f: {  	_ =	shalt  }
0x80: {  	_ =	shalt  }
0x81: {  	_ =	shalt  }
0x82: {  	_ =	shalt  }
0x83: {  	_ =	shalt  }
0x84: {  	_ =	shalt  }
0x85: {  	_ =	shalt  }
0x86: {  	_ =	shalt  }
0x87: {  	_ =	shalt  }
.Lfunc_end0:
.L_simem_size_0:
called_computation_lowered:
.L_overlay_start_0:
0x88: {  	s2 =	sld [smem:$0x3FD9]  }
0x89: {  	s3 =	sld [smem:$0x3FFE];
	_ =	sdelay $0x1  }
0x8a: {  	s1 =	srdreg.scid  }
0x8b: {  	s0 =	sand.u32 $0x1, s1  }
0x8c: {  	s17 =	sshll.u32 s0, $0xA;
	s2 =	sadd.s32 s3, s2  }
0x8d: {  	s2 =	sadd.s32 s2, s17  }
0x8e: {  	[smem:$0x3FBB] =	sst s2  }
0x8f: {  	_ = 	snop  }
0x90: {  	s2 =	sld [smem:$0x3FD0];
	(tm) =	ssettm $0x1  }
0x91: {  	s18 =	sld [smem:$0x3FFB];
	_ =	sdelay $0x3  }
0x92: {  	_ =	strace s18  }
0x93: {  	s3 =	sld [smem:$0x3FFC];
	_ =	sdelay $0x3  }
0x94: {  	_ =	strace s3  }
0x95: {  	s3 =	sld [smem:$0x3FFD];
	_ =	sdelay $0x3  }
0x96: {  	_ =	strace s3  }
0x97: {  	_ =	strace $0x8FFFFFFF  }
0x98: {  	s19 =	sld [smem:$0x3FDB];
	_ =	sdelay $0x1  }
0x99: {  	s4 =	simm.s32 $_scs_section_size  }
0x9a: {  	s5 =	simm.s32 $_size__tile_overlayer_lowered;
	s6 =	simm.s32 $_tile_overlayer_lowered  }
0x9b: {  	s22 =	simm.s32 $0x1BFF;
	s21 =	sshll.u32 s6, $0x1;
	s3 =	sadd.s32 s4, s19  }
0x9c: {  	s7 =	simm.s32 $0x0;
	s20 =	sshll.u32 s5, $0x1;
	s5 =	sadd.s32 s21, s3  }
0x9d: {  	[timem:s7], [sflag:s22] =	dma.local [hbm:s5], s20  }
0x9e: {  	_ =	swait.ge [sflag:s22], s20  }
0x9f: {  	s4 =	ssub.s32 $0x0, s20;
	[sflag:s22] =	ssyncset.done $0x0  }
0xa0: {  	[sflag:s22] =	ssyncadd.s32 s4;
	_ =	sdelay $0x1  }
0xa1: {  	s23 =	simm.s32 $0x1B8B  }
0xa2: {  	_ =	swait.ge [sflag:s23], $0x1  }
0xa3: {  	[sflag:s23] =	ssyncset.done $0x0  }
0xa4: {  	s25 =	simm.s32 $0x1B8E;
	s24 =	sld [smem:$0x3FFE];
	[sflag:s23] =	ssyncadd.s32 $0xFFFFFFFF  }
0xa5: {  	s26 =	simm.s32 $execute0_lowered;
	[smem:$0x3FD2] =	sst s25  }
0xa6: {  	s5 =	sshll.u32 s26, $0x1;
	_ =	strace $0x80000046;
	[dreg:$0x1] =	wrdreg $0xFFFFFFFF  }
0xa7: {  	s28 =	simm.s32 $_size_execute0_lowered;
	s3 =	sadd.s32 s3, s5;
	[dreg:$0x0] =	wrdreg $0x0  }
0xa8: {  	s5 =	sshll.u32 s28, $0x1;
	[dreg:$0x2] =	wrdreg s3  }
0xa9: {  	[dreg:$0x3] =	wrdreg s5  }
0xaa: {  	[dreg:$0x4] =	wrdreg $0xC0  }
0xab: {  	_ =	task [dreg:s7], $0x5FFFF  }
0xac: {  	[dreg:$0x1] =	wrdreg $0xFFFFFFFF  }
0xad: {  	[dreg:$0x0] =	wrdreg $0x60  }
0xae: {  	[dreg:$0x2] =	wrdreg s24  }
0xaf: {  	[dreg:$0x3] =	wrdreg s2  }
0xb0: {  	[dreg:$0x4] =	wrdreg $0x9  }
0xb1: {  	_ =	task.clear_ibuf [dreg:s7], $0x5FFFF;
	_ =	strace $0x90000046  }
0xb2: {  	s29 =	simm.s32 $0x9;
	_ =	strace $0x80000048  }
0xb3: {  	_ =	swait.ge [sflag:s29], $0x1  }
0xb4: {  	[sflag:s29] =	ssyncadd.s32 $0xFFFFFFFF  }
0xb5: {  	_ =	strace $0x90000048  }
0xb6: {  	_ =	sfence  }
0xb7: {  	s30 =	sld [smem:$0x0];
	_ =	sdelay $0x2  }
0xb8: {  	s31 =	sshll.u32 s1, $0xD;
	s1 =	sshrl.u32 s1, $0x2  }
0xb9: {  	s3 =	sand.u32 $0x4000, s31;
	s1 =	sadd.s32 s1, s30  }
0xba: {  	s0 =	sor.u32 s3, s0;
	s1 =	sshll.u32 s1, $0x11  }
0xbb: {  	s0 =	sor.u32 s1, s0  }
0xbc: {  	s0 =	sadd.s32 $0x8F2B, s0  }
0xbd: {  	[sflag:s0] =	ssyncadd.remote.s32 $0x1  }
0xbe: {  	_ =	sfence.sel $0xFFFF  }
0xbf: {  	[dreg:$0x0] =	wrdreg $0xFFFFFFFF;
	(pc) =	sbr.abs _section_cstart, $3  }
0xc0: {  	[dreg:$0x1] =	wrdreg $0xFFFFFFFF  }
0xc1: {  	_ =	task.clear_ibuf [dreg:s7], $0x2FFFF;
	_ =	strace $0x9FFFFFFF  }
0xc2: {  	(tm) =	ssettm $0x7FFFFFFF  }
0xc3: {  	_ =	shalt  }
tec
execute0_lowered:
.L_overlay_start_1:
0x0: {  	(tag) =	ssettag $0x1  }
0x1: {  	s5 =	rddreg [dreg:$0x0]  }
0x2: {  	s1 =	rddreg [dreg:$0x1]  }
0x3: {  	s0 =	rddreg [dreg:$0x2];
	s3 =	srdreg.scid  }
0x4: {  	s2 =	simm.s32 $0x0;
	s10 =	simm.s32 $0x0;
	s6 =	sand.u32 $0x1, s3  }
0x5: {  	[smem:$0x7FF] =	sst s2;
	s3 =	stileid.u32;
	s7 =	sshll.u32 s6, $0x4  }
0x6: {  	s4 =	sadd.s32 $0x1C00, s5;
	s6 =	ssub.s32 $0x2, s6;
	s7 =	sor.u32 s3, s7  }
0x7: {  	_ =	strace $0x80000047;
	s9 =	sshrl.u32 s6, $0x1;
	s8 =	sshll.u32 s7, $0xA  }
0x8: {  	s7 =	sshll.u32 s7, $0x4;
	s6 =	ssub.s32 s6, s9;
	s9 =	simm.s32 $0x4000  }
0x9: {  	v2 =	vimm.f32 $0.0e+00;
	s5 =	sadd.s32 s8, s5;
	s31 =	sadd.s32 $0x10, s7;
	s6 =	smax.u32 s6, $0x1  }
0xa: {  	v3 =	vimm.f32 $1.000000000e+00;
	v0 =	vmov s7;
	s7 =	simm.s32 $0x1;
	s8 =	simm.s32 $0x2000;
	s5 =	sadd.s32 $0x2000, s5;
	v1 =	vmov s31  }
.LBB2_1:
0xb: {  	[tilespmem:s2], [sflag:$0x1] =	stream.linear.gather [hbm4b:s4+s2], $0x2000, $0x38;
	[tilespmem:$0x6000] =	vst v63  }
0xc: {  	_ =	swait.ge [sflag:s7], $0x2000  }
0xd: {  	[sflag:s7] =	ssyncset.done $0x0  }
0xe: {  	[sflag:s7] =	ssyncadd.s32 $0xFFFFE000  }
0xf: {  	[tilespmem:s8], [sflag:$0x1] =	stream.linear.gather [hbm4b:s1+s2], $0x2000, $0x38;
	[tilespmem:$0x6000] =	vst v63  }
0x10: {  	_ =	swait.ge [sflag:s7], $0x2000  }
0x11: {  	[sflag:s7] =	ssyncset.done $0x0  }
0x12: {  	s11 =	simm.s32 $0x0;
	[sflag:s7] =	ssyncadd.s32 $0xFFFFE000  }
.LBB2_2:
0x13: {  	p0 =	sne.s32 s11, $0x7FC0  }
.Ltmp0:
0x14: {  	_ = 	snop;
	(pc) =	sbr.rel @p0 .LBB2_2-.Ltmp0, $3  }
0x15: {  	_ =	sdelay $0x1  }
0x16: {  	s12 =	sshra.s32 s11, $0x2  }
0x17: {  	s11 =	sadd.s32 $0x40, s11;
	[tilespmem:s12+$0x4000] =	vst v2  }
0x18: {  	s11 =	simm.s32 $0x0  }
0x19: {  	v4 =	vld [tilespmem:s11+$0x0]  }
0x1a: {  	v5 =	vld [tilespmem:s11+$0x2000];
	_ =	sdelay $0x3  }
0x1b: {  	v6 =	vsub.s32 v4, v0;
	vm0 =	vge.s32 v4, v0  }
0x1c: {  	vm1 =	vlt.s32 v4, v1;
	v7 =	vsub.s32 v5, v0;
	v6 =	vshll.u32 v6, $0x9  }
0x1d: {  	vm2 =	vlt.s32 v5, v1;
	vm1 =	vmand vm0, vm1;
	v6 =	vadd.s32 v5, v6  }
0x1e: {  	vm0 =	vge.s32 v5, v0;
	v7 =	vshll.u32 v7, $0x9;
	v6 =	vnsel vm1, $0x0, v6  }
0x1f: {  	v4 =	vadd.s32 v4, v7;
	vm0 =	vmand vm0, vm2  }
0x20: {  	v4 =	vnsel vm0, $0x0, v4;
	_ =	sdelay $0x2  }
0x21: {  	s11 =	simm.s32 $0x40;
	[tilespmem:v6+s9+$0x0] =	vst.idx.add.f32.msk vm1, v3  }
.LBB2_4:
0x22: {  	p0 =	sne.s32 s11, $0x7FC0;
	s12 =	smov.u32 s11;
	s11 =	sadd.s32 $0x40, s11  }
0x23: {  	s12 =	sshra.s32 s12, $0x2;
	[tilespmem:v4+s9+$0x0] =	vst.idx.add.f32.msk vm0, v3  }
0x24: {  	v4 =	vld [tilespmem:s12+$0x0]  }
0x25: {  	v5 =	vld [tilespmem:s12+$0x2000];
	_ =	sdelay $0x3  }
0x26: {  	vm0 =	vge.s32 v4, v0;
	vm1 =	vlt.s32 v4, v1;
	v6 =	vsub.s32 v4, v0  }
0x27: {  	vm1 =	vmand vm0, vm1;
	v6 =	vshll.u32 v6, $0x9;
	v7 =	vsub.s32 v5, v0  }
0x28: {  	vm0 =	vge.s32 v5, v0;
	v6 =	vadd.s32 v5, v6;
	v7 =	vshll.u32 v7, $0x9  }
0x29: {  	vm2 =	vlt.s32 v5, v1;
	v6 =	vnsel vm1, $0x0, v6;
	v4 =	vadd.s32 v4, v7  }
.Ltmp1:
0x2a: {  	vm0 =	vmand vm0, vm2;
	(pc) =	sbr.rel @p0 .LBB2_4-.Ltmp1, $2  }
0x2b: {  	v4 =	vnsel vm0, $0x0, v4;
	_ =	sdelay $0x2  }
0x2c: {  	[tilespmem:v6+s9+$0x0] =	vst.idx.add.f32.msk vm1, v3  }
0x2d: {  	_ =	sdelay $0x2  }
0x2e: {  	s10 =	sadd.s32 $0x1, s10  }
0x2f: {  	p0 =	sne.s32 s10, s6  }
.Ltmp2:
0x30: {  	[tilespmem:v4+s9+$0x0] =	vst.idx.add.f32.msk vm0, v3;
	(pc) =	sbr.rel @p0 .LBB2_1-.Ltmp2, $4  }
0x31: {  	[hbm4b:s5+s2] =	stream.linear.scatter [tilespmem:s9], [sflag:$0x1], $0x2000, $0x38;
	[tilespmem:$0x6000] =	vst v63  }
0x32: {  	_ =	swait.ge [sflag:s7], $0x2000  }
0x33: {  	[sflag:s7] =	ssyncset.done $0x0  }
0x34: {  	[sflag:s7] =	ssyncadd.s32 $0xFFFFE000  }
0x35: {  	_ =	sfence.sel $0x180000  }
0x36: {  	[bflag:$0x0] =	sbarrier.arrive $0xFFFF  }
0x37: {  	p0 =	sne.s32 s3, $0x0;
	_ =	strace $0x90000047  }
0x38: {  	s0 =	sadd.s32 @!p0 $0x100000, s0;
	[bflag:$0x2] =	sbarrier.arrive $0xFFFF  }
0x39: {  	[sflag:s0] =	ssyncadd.tile.s32 @!p0 $0x1;
	_ =	shalt  }
.Lfunc_end2:
_tile_overlayer_lowered:
.L_overlay_start_2:
0x3a: {  	(tag) =	ssettag $0x2  }
0x3b: {  	s0 =	rddreg [dreg:$0x0];
	s2 =	stileid.u32  }
0x3c: {  	s1 =	rddreg [dreg:$0x1];
	p0 =	sne.s32 s2, $0x0  }
0x3d: {  	s3 =	rddreg [dreg:$0x2];
	[bflag:$0x3] =	sbarrier.arrive $0xFFFF;
	s2 =	simm.s32 @!p0 $0x1C01  }
0x3e: {  	[timem:s3], [sflag:s2] =	dma.local @!p0 [hbm:s0], s1  }
0x3f: {  	s0 =	simm.s32 @!p0 $0x1  }
0x40: {  	_ =	swait.ge @!p0 [sflag:s0], s1  }
0x41: {  	s1 =	ssub.s32 @!p0 $0x0, s1;
	[sflag:s0] =	ssyncset.done @!p0 $0x0  }
0x42: {  	[sflag:s0] =	ssyncadd.s32 @!p0 s1  }
0x43: {  	[bflag:$0x3] =	sbarrier.arrive $0xFFFF  }
0x44: {  	_ =	shalt  }

</sc_bundles>
